<compile_context>
chip_gen: v7x
topology: tpu7x:2x2x1
jax: 0.10.2.dev20260603
libtpu: 0.0.44.dev20260713+nightly
codegen_flags: <defaults>
</compile_context>

<pallas_src>
import functools

import jax
import jax.numpy as jnp
from jax import lax
from jax.experimental import pallas as pl
from jax.experimental.pallas import tpu as pltpu
from jax.experimental.pallas import tpu_sc as plsc

N = 50000
E = 1600000
NUM_GRAPHS = 128

NC = 2
NS = 16
NW = NC * NS
L = 16

PER_W = E // NW
CHUNK = 2000
N_CHUNKS = PER_W // CHUNK
GROUPS = CHUNK // L


def _norm_newton(d2):
    xi = lax.bitcast_convert_type(d2, jnp.int32)
    yi = jnp.int32(0x5F3759DF) - (xi >> 1)
    y = lax.bitcast_convert_type(yi, jnp.float32)
    y = y * (1.5 - 0.5 * d2 * y * y)
    y = y * (1.5 - 0.5 * d2 * y * y)
    y = y * (1.5 - 0.5 * d2 * y * y)
    return d2 * y


@functools.partial(
    pl.kernel,
    mesh=plsc.VectorSubcoreMesh(core_axis_name="c", subcore_axis_name="s"),
    compiler_params=pltpu.CompilerParams(needs_layout_passes=False),
    out_type=[
        jax.ShapeDtypeStruct((3 * E,), jnp.float32),
        jax.ShapeDtypeStruct((E,), jnp.float32),
        jax.ShapeDtypeStruct((NW, NUM_GRAPHS), jnp.int32),
    ],
    scratch_types=[
        pltpu.VMEM((CHUNK,), jnp.int32),
        pltpu.VMEM((CHUNK,), jnp.int32),
        pltpu.VMEM((CHUNK,), jnp.float32),
        pltpu.VMEM((CHUNK,), jnp.float32),
        pltpu.VMEM((CHUNK,), jnp.float32),
        pltpu.VMEM((CHUNK,), jnp.float32),
        pltpu.VMEM((CHUNK,), jnp.float32),
        pltpu.VMEM((CHUNK,), jnp.float32),
        pltpu.VMEM((CHUNK,), jnp.int32),
        pltpu.VMEM((3 * CHUNK,), jnp.float32),
        pltpu.VMEM((CHUNK,), jnp.float32),
        pltpu.VMEM((NUM_GRAPHS,), jnp.int32),
        pltpu.SemaphoreType.DMA,
    ],
)
def _edge_kernel(tx_hbm, ty_hbm, tz_hbm, tb_hbm, src_hbm, dst_hbm,
                 dv_out, dist_out, nb_out,
                 idx_j, idx_i, jxv, jyv, jzv, ixv, iyv, izv, ibv,
                 dv_buf, dist_buf, hist, sem):
    cid = lax.axis_index("c")
    sid = lax.axis_index("s")
    wid = sid * NC + cid

    zeros16 = jnp.zeros((L,), jnp.int32)
    for k in range(NUM_GRAPHS // L):
        hist[pl.ds(k * L, L)] = zeros16

    iota = lax.iota(jnp.int32, L)
    iota3 = iota * 3
    ones_i = jnp.full((L,), 1, jnp.int32)

    def chunk_body(k, _):
        base = wid * PER_W + k * CHUNK
        pltpu.sync_copy(src_hbm.at[pl.ds(base, CHUNK)], idx_j)
        pltpu.sync_copy(dst_hbm.at[pl.ds(base, CHUNK)], idx_i)
        cps = [
            pltpu.async_copy(tx_hbm.at[idx_j], jxv, sem),
            pltpu.async_copy(ty_hbm.at[idx_j], jyv, sem),
            pltpu.async_copy(tz_hbm.at[idx_j], jzv, sem),
            pltpu.async_copy(tx_hbm.at[idx_i], ixv, sem),
            pltpu.async_copy(ty_hbm.at[idx_i], iyv, sem),
            pltpu.async_copy(tz_hbm.at[idx_i], izv, sem),
            pltpu.async_copy(tb_hbm.at[idx_i], ibv, sem),
        ]
        for cp in cps:
            cp.wait()

        def group_body(g, _):
            b = g * L
            dvx = jxv[pl.ds(b, L)] - ixv[pl.ds(b, L)]
            dvy = jyv[pl.ds(b, L)] - iyv[pl.ds(b, L)]
            dvz = jzv[pl.ds(b, L)] - izv[pl.ds(b, L)]
            d2 = dvx * dvx + dvy * dvy + dvz * dvz
            dist_buf[pl.ds(b, L)] = _norm_newton(d2)
            fid = b * 3 + iota3
            plsc.store_scatter(dv_buf, [fid], dvx)
            plsc.store_scatter(dv_buf, [fid + 1], dvy)
            plsc.store_scatter(dv_buf, [fid + 2], dvz)
            plsc.addupdate_scatter(hist, [ibv[pl.ds(b, L)]], ones_i)
            return 0

        lax.fori_loop(0, GROUPS, group_body, 0, unroll=2)
        pltpu.sync_copy(dv_buf, dv_out.at[pl.ds(3 * base, 3 * CHUNK)])
        pltpu.sync_copy(dist_buf, dist_out.at[pl.ds(base, CHUNK)])
        return 0

    lax.fori_loop(0, N_CHUNKS, chunk_body, 0)
    pltpu.sync_copy(hist, nb_out.at[wid])


def kernel(pos, edge_index, batch):
    src = edge_index[0]
    dst = edge_index[1]
    tx = pos[:, 0]
    ty = pos[:, 1]
    tz = pos[:, 2]
    dv_flat, edge_dist, nb_parts = _edge_kernel(tx, ty, tz, batch, src, dst)
    distance_vec = dv_flat.reshape(E, 3)
    neighbors = jnp.sum(nb_parts, axis=0, dtype=jnp.int32)
    n_edges = edge_index.shape[1]
    cell_offsets = jnp.zeros((n_edges, 3), dtype=jnp.float32)
    cell_offset_distances = jnp.zeros((n_edges, 3), dtype=jnp.float32)
    return (edge_index, edge_dist, distance_vec, cell_offsets,
            cell_offset_distances, neighbors)

# --- scband reference (transcript-rebuilt; emitter-appended) ---
"""Pipeline reference for scband-base-model-14705968021914 (READ-ONLY COPY).

The authoritative reference and input builder live on the scoring server;
editing this copy changes nothing except your own understanding.
"""

import jax, jax.numpy as jnp
import numpy as np

N = 50000
E = 1600000
NUM_GRAPHS = 128


def setup_inputs(seed: int = 0) -> dict:
    key = jax.random.key(seed)
    k1, k2, k3, k4 = jax.random.split(key, 4)
    pos = jax.random.normal(k1, (N, 3), dtype=jnp.float32) * 5.0
    src = jax.random.randint(k2, (E,), 0, N, dtype=jnp.int32)
    off = jax.random.randint(k3, (E,), 1, N, dtype=jnp.int32)
    dst = (src + off) % N  # guarantee no self-loops (avoids zero-distance edges)
    edge_index = jnp.stack([src, dst], axis=0)
    batch = jnp.sort(jax.random.randint(k4, (N,), 0, NUM_GRAPHS, dtype=jnp.int32))
    return {"pos": pos, "edge_index": edge_index, "batch": batch}


def reference(pos, edge_index, batch):
    # BaseModel.generate_graph, non-PBC / otf_graph=False branch:
    #   j, i = edge_index
    #   distance_vec = pos[j] - pos[i]
    #   edge_dist = distance_vec.norm(dim=-1)
    #   cell_offsets / cell_offset_distances = zeros
    #   neighbors = compute_neighbors(data, edge_index)  (edge count per graph)
    j = edge_index[0]
    i = edge_index[1]
    distance_vec = jnp.take(pos, j, axis=0) - jnp.take(pos, i, axis=0)
    edge_dist = jnp.sqrt(jnp.sum(distance_vec * distance_vec, axis=-1))
    n_edges = edge_index.shape[1]
    cell_offsets = jnp.zeros((n_edges, 3), dtype=jnp.float32)
    cell_offset_distances = jnp.zeros((n_edges, 3), dtype=jnp.float32)
    dst_graph = jnp.take(batch, i)
    neighbors = jax.ops.segment_sum(
        jnp.ones((n_edges,), dtype=jnp.int32), dst_graph, num_segments=NUM_GRAPHS
    )
    return (edge_index, edge_dist, distance_vec, cell_offsets, cell_offset_distances, neighbors)

if __name__ == "__main__":
    import jax
    _d = setup_inputs()
    print(jax.jit(kernel)(*tuple(_d.values())))

</pallas_src>

<mosaic_0001>
#map = affine_map<(d0, d1) -> (0)>
#map1 = affine_map<(d0, d1) -> (0, 0)>
module attributes {stable_mosaic.version = 14 : i64} {
  func.func @_edge_kernel(%arg0: i32, %arg1: i32, %arg2: memref<50000xf32, #tpu.memory_space<hbm>>, %arg3: memref<50000xf32, #tpu.memory_space<hbm>>, %arg4: memref<50000xf32, #tpu.memory_space<hbm>>, %arg5: memref<50000xi32, #tpu.memory_space<hbm>>, %arg6: memref<1600000xi32, #tpu.memory_space<hbm>>, %arg7: memref<1600000xi32, #tpu.memory_space<hbm>>, %arg8: memref<4800000xf32, #tpu.memory_space<hbm>>, %arg9: memref<1600000xf32, #tpu.memory_space<hbm>>, %arg10: memref<32x128xi32, #tpu.memory_space<hbm>>, %arg11: memref<2000xi32, #tpu.memory_space<vmem>>, %arg12: memref<2000xi32, #tpu.memory_space<vmem>>, %arg13: memref<2000xf32, #tpu.memory_space<vmem>>, %arg14: memref<2000xf32, #tpu.memory_space<vmem>>, %arg15: memref<2000xf32, #tpu.memory_space<vmem>>, %arg16: memref<2000xf32, #tpu.memory_space<vmem>>, %arg17: memref<2000xf32, #tpu.memory_space<vmem>>, %arg18: memref<2000xf32, #tpu.memory_space<vmem>>, %arg19: memref<2000xi32, #tpu.memory_space<vmem>>, %arg20: memref<6000xf32, #tpu.memory_space<vmem>>, %arg21: memref<2000xf32, #tpu.memory_space<vmem>>, %arg22: memref<128xi32, #tpu.memory_space<vmem>>, %arg23: memref<!tpu.dma_semaphore, #tpu.memory_space<semaphore_mem>>) attributes {dimension_semantics = [#tpu.dimension_semantics<core_parallel>, #tpu.dimension_semantics<subcore_parallel>], iteration_bounds = array<i64: 2, 16>, scalar_prefetch = 0 : i64, scratch_operands = 13 : i64, tpu.core_type = #tpu.core_type<sc_vector_subcore>, window_params = [{transform_indices = #map}, {transform_indices = #map}, {transform_indices = #map}, {transform_indices = #map}, {transform_indices = #map}, {transform_indices = #map}, {transform_indices = #map}, {transform_indices = #map}, {transform_indices = #map1}]} {
    %mul3A = arith.constant 2 : i32
    %mul3A_0 = arith.muli %arg1, %mul3A : i32
    %add3A = arith.addi %mul3A_0, %arg0 : i32
    %broadcast_in_dim3A = arith.constant 0 : i32
    %broadcast_in_dim3A_1 = vector.broadcast %broadcast_in_dim3A : i32 to vector<16xi32>
    %swap3A = arith.constant 0 : index
    %swap3A_2 = tpu.vector_load %arg22[%swap3A] {strides = array<i32>} : memref<128xi32, #tpu.memory_space<vmem>>, vector<16xi32>,
    tpu.vector_store %arg22[%swap3A], %broadcast_in_dim3A_1 {strides = array<i32>} : memref<128xi32, #tpu.memory_space<vmem>>, vector<16xi32>,
    %swap3A_3 = arith.constant 16 : index
    %swap3A_4 = tpu.vector_load %arg22[%swap3A_3] {strides = array<i32>} : memref<128xi32, #tpu.memory_space<vmem>>, vector<16xi32>,
    tpu.vector_store %arg22[%swap3A_3], %broadcast_in_dim3A_1 {strides = array<i32>} : memref<128xi32, #tpu.memory_space<vmem>>, vector<16xi32>,
    %swap3A_5 = arith.constant 32 : index
    %swap3A_6 = tpu.vector_load %arg22[%swap3A_5] {strides = array<i32>} : memref<128xi32, #tpu.memory_space<vmem>>, vector<16xi32>,
    tpu.vector_store %arg22[%swap3A_5], %broadcast_in_dim3A_1 {strides = array<i32>} : memref<128xi32, #tpu.memory_space<vmem>>, vector<16xi32>,
    %swap3A_7 = arith.constant 48 : index
    %swap3A_8 = tpu.vector_load %arg22[%swap3A_7] {strides = array<i32>} : memref<128xi32, #tpu.memory_space<vmem>>, vector<16xi32>,
    tpu.vector_store %arg22[%swap3A_7], %broadcast_in_dim3A_1 {strides = array<i32>} : memref<128xi32, #tpu.memory_space<vmem>>, vector<16xi32>,
    %swap3A_9 = arith.constant 64 : index
    %swap3A_10 = tpu.vector_load %arg22[%swap3A_9] {strides = array<i32>} : memref<128xi32, #tpu.memory_space<vmem>>, vector<16xi32>,
    tpu.vector_store %arg22[%swap3A_9], %broadcast_in_dim3A_1 {strides = array<i32>} : memref<128xi32, #tpu.memory_space<vmem>>, vector<16xi32>,
    %swap3A_11 = arith.constant 80 : index
    %swap3A_12 = tpu.vector_load %arg22[%swap3A_11] {strides = array<i32>} : memref<128xi32, #tpu.memory_space<vmem>>, vector<16xi32>,
    tpu.vector_store %arg22[%swap3A_11], %broadcast_in_dim3A_1 {strides = array<i32>} : memref<128xi32, #tpu.memory_space<vmem>>, vector<16xi32>,
    %swap3A_13 = arith.constant 96 : index
    %swap3A_14 = tpu.vector_load %arg22[%swap3A_13] {strides = array<i32>} : memref<128xi32, #tpu.memory_space<vmem>>, vector<16xi32>,
    tpu.vector_store %arg22[%swap3A_13], %broadcast_in_dim3A_1 {strides = array<i32>} : memref<128xi32, #tpu.memory_space<vmem>>, vector<16xi32>,
    %swap3A_15 = arith.constant 112 : index
    %swap3A_16 = tpu.vector_load %arg22[%swap3A_15] {strides = array<i32>} : memref<128xi32, #tpu.memory_space<vmem>>, vector<16xi32>,
    tpu.vector_store %arg22[%swap3A_15], %broadcast_in_dim3A_1 {strides = array<i32>} : memref<128xi32, #tpu.memory_space<vmem>>, vector<16xi32>,
    %iota3A = tpu.iota {dimensions = array<i32: 0>} : vector<16xi32>
    %mul3A_17 = arith.constant 3 : i32
    %mul3A_18 = vector.broadcast %mul3A_17 : i32 to vector<16xi32>
    %mul3A_19 = arith.muli %iota3A, %mul3A_18 : vector<16xi32>
    %broadcast_in_dim3A_20 = arith.constant 1 : i32
    %broadcast_in_dim3A_21 = vector.broadcast %broadcast_in_dim3A_20 : i32 to vector<16xi32>
    %scan3A = arith.constant 0 : i32
    %scan3A_22 = arith.constant 0 : i32
    %scan3A_23 = arith.constant 25 : i32
    %scan3A_24 = arith.addi %scan3A_22, %scan3A_23 : i32
    %scan3A_25 = arith.constant 1 : i32
    %scan3A_26 = scf.for %scan3A_28 = %scan3A_22 to %scan3A_24 step %scan3A_25 iter_args(%scan3A_29 = %scan3A) -> (i32)  : i32 {
      %mul3A_30 = arith.constant 50000 : i32
      %mul3A_31 = arith.muli %add3A, %mul3A_30 : i32
      %mul3A_32 = arith.constant 2000 : i32
      %mul3A_33 = arith.muli %scan3A_28, %mul3A_32 : i32
      %add3A_34 = arith.addi %mul3A_31, %mul3A_33 : i32
      "tpu.region"() ({
        %run_scoped3A = tpu.sem_alloc : memref<!tpu.dma_semaphore, #tpu.memory_space<semaphore_mem>>
        %dma_start3A_142 = tpu.memref_slice %arg6[%add3A_34] : memref<1600000xi32, #tpu.memory_space<hbm>> -> memref<2000xi32, #tpu.memory_space<hbm>>
        %dma_start3A_143 = tpu.memref_slice %arg6[%add3A_34] : memref<1600000xi32, #tpu.memory_space<hbm>> -> memref<2000xi32, #tpu.memory_space<hbm>>
        tpu.enqueue_dma source(%dma_start3A_143 : memref<2000xi32, #tpu.memory_space<hbm>>) target(%arg11 : memref<2000xi32, #tpu.memory_space<vmem>>) target_semaphore(%run_scoped3A : memref<!tpu.dma_semaphore, #tpu.memory_space<semaphore_mem>>)
        %dma_wait3A_144 = tpu.memref_slice %arg6[%add3A_34] : memref<1600000xi32, #tpu.memory_space<hbm>> -> memref<2000xi32, #tpu.memory_space<hbm>>
        %dma_wait3A_145 = tpu.memref_slice %arg6[%add3A_34] : memref<1600000xi32, #tpu.memory_space<hbm>> -> memref<2000xi32, #tpu.memory_space<hbm>>
        tpu.wait_dma2 semaphore(%run_scoped3A : memref<!tpu.dma_semaphore, #tpu.memory_space<semaphore_mem>>) src(%dma_wait3A_145 : memref<2000xi32, #tpu.memory_space<hbm>>) dst(%arg11 : memref<2000xi32, #tpu.memory_space<vmem>>)
        tpu.yield
      }) : () -> ()
      "tpu.region"() ({
        %run_scoped3A = tpu.sem_alloc : memref<!tpu.dma_semaphore, #tpu.memory_space<semaphore_mem>>
        %dma_start3A_142 = tpu.memref_slice %arg7[%add3A_34] : memref<1600000xi32, #tpu.memory_space<hbm>> -> memref<2000xi32, #tpu.memory_space<hbm>>
        %dma_start3A_143 = tpu.memref_slice %arg7[%add3A_34] : memref<1600000xi32, #tpu.memory_space<hbm>> -> memref<2000xi32, #tpu.memory_space<hbm>>
        tpu.enqueue_dma source(%dma_start3A_143 : memref<2000xi32, #tpu.memory_space<hbm>>) target(%arg12 : memref<2000xi32, #tpu.memory_space<vmem>>) target_semaphore(%run_scoped3A : memref<!tpu.dma_semaphore, #tpu.memory_space<semaphore_mem>>)
        %dma_wait3A_144 = tpu.memref_slice %arg7[%add3A_34] : memref<1600000xi32, #tpu.memory_space<hbm>> -> memref<2000xi32, #tpu.memory_space<hbm>>
        %dma_wait3A_145 = tpu.memref_slice %arg7[%add3A_34] : memref<1600000xi32, #tpu.memory_space<hbm>> -> memref<2000xi32, #tpu.memory_space<hbm>>
        tpu.wait_dma2 semaphore(%run_scoped3A : memref<!tpu.dma_semaphore, #tpu.memory_space<semaphore_mem>>) src(%dma_wait3A_145 : memref<2000xi32, #tpu.memory_space<hbm>>) dst(%arg12 : memref<2000xi32, #tpu.memory_space<vmem>>)
        tpu.yield
      }) : () -> ()
      %dma_start3A = arith.constant 0 : i32
      %dma_start3A_35 = tpu.memref_slice %arg2[%dma_start3A] : memref<50000xf32, #tpu.memory_space<hbm>> -> memref<50000xf32, #tpu.memory_space<hbm>>
      tpu.enqueue_indirect_dma source(%dma_start3A_35 : memref<50000xf32, #tpu.memory_space<hbm>>) target(%arg13 : memref<2000xf32, #tpu.memory_space<vmem>>) offsets(%arg11 : memref<2000xi32, #tpu.memory_space<vmem>>) semaphore(%arg23 : memref<!tpu.dma_semaphore, #tpu.memory_space<semaphore_mem>>)
      %dma_start3A_36 = arith.constant 0 : i32
      %dma_start3A_37 = tpu.memref_slice %arg3[%dma_start3A_36] : memref<50000xf32, #tpu.memory_space<hbm>> -> memref<50000xf32, #tpu.memory_space<hbm>>
      tpu.enqueue_indirect_dma source(%dma_start3A_37 : memref<50000xf32, #tpu.memory_space<hbm>>) target(%arg14 : memref<2000xf32, #tpu.memory_space<vmem>>) offsets(%arg11 : memref<2000xi32, #tpu.memory_space<vmem>>) semaphore(%arg23 : memref<!tpu.dma_semaphore, #tpu.memory_space<semaphore_mem>>)
      %dma_start3A_38 = arith.constant 0 : i32
      %dma_start3A_39 = tpu.memref_slice %arg4[%dma_start3A_38] : memref<50000xf32, #tpu.memory_space<hbm>> -> memref<50000xf32, #tpu.memory_space<hbm>>
      tpu.enqueue_indirect_dma source(%dma_start3A_39 : memref<50000xf32, #tpu.memory_space<hbm>>) target(%arg15 : memref<2000xf32, #tpu.memory_space<vmem>>) offsets(%arg11 : memref<2000xi32, #tpu.memory_space<vmem>>) semaphore(%arg23 : memref<!tpu.dma_semaphore, #tpu.memory_space<semaphore_mem>>)
      %dma_start3A_40 = arith.constant 0 : i32
      %dma_start3A_41 = tpu.memref_slice %arg2[%dma_start3A_40] : memref<50000xf32, #tpu.memory_space<hbm>> -> memref<50000xf32, #tpu.memory_space<hbm>>
      tpu.enqueue_indirect_dma source(%dma_start3A_41 : memref<50000xf32, #tpu.memory_space<hbm>>) target(%arg16 : memref<2000xf32, #tpu.memory_space<vmem>>) offsets(%arg12 : memref<2000xi32, #tpu.memory_space<vmem>>) semaphore(%arg23 : memref<!tpu.dma_semaphore, #tpu.memory_space<semaphore_mem>>)
      %dma_start3A_42 = arith.constant 0 : i32
      %dma_start3A_43 = tpu.memref_slice %arg3[%dma_start3A_42] : memref<50000xf32, #tpu.memory_space<hbm>> -> memref<50000xf32, #tpu.memory_space<hbm>>
      tpu.enqueue_indirect_dma source(%dma_start3A_43 : memref<50000xf32, #tpu.memory_space<hbm>>) target(%arg17 : memref<2000xf32, #tpu.memory_space<vmem>>) offsets(%arg12 : memref<2000xi32, #tpu.memory_space<vmem>>) semaphore(%arg23 : memref<!tpu.dma_semaphore, #tpu.memory_space<semaphore_mem>>)
      %dma_start3A_44 = arith.constant 0 : i32
      %dma_start3A_45 = tpu.memref_slice %arg4[%dma_start3A_44] : memref<50000xf32, #tpu.memory_space<hbm>> -> memref<50000xf32, #tpu.memory_space<hbm>>
      tpu.enqueue_indirect_dma source(%dma_start3A_45 : memref<50000xf32, #tpu.memory_space<hbm>>) target(%arg18 : memref<2000xf32, #tpu.memory_space<vmem>>) offsets(%arg12 : memref<2000xi32, #tpu.memory_space<vmem>>) semaphore(%arg23 : memref<!tpu.dma_semaphore, #tpu.memory_space<semaphore_mem>>)
      %dma_start3A_46 = arith.constant 0 : i32
      %dma_start3A_47 = tpu.memref_slice %arg5[%dma_start3A_46] : memref<50000xi32, #tpu.memory_space<hbm>> -> memref<50000xi32, #tpu.memory_space<hbm>>
      tpu.enqueue_indirect_dma source(%dma_start3A_47 : memref<50000xi32, #tpu.memory_space<hbm>>) target(%arg19 : memref<2000xi32, #tpu.memory_space<vmem>>) offsets(%arg12 : memref<2000xi32, #tpu.memory_space<vmem>>) semaphore(%arg23 : memref<!tpu.dma_semaphore, #tpu.memory_space<semaphore_mem>>)
      %dma_wait3A = arith.constant 0 : i32
      %dma_wait3A_48 = tpu.memref_slice %arg2[%dma_wait3A] : memref<50000xf32, #tpu.memory_space<hbm>> -> memref<50000xf32, #tpu.memory_space<hbm>>
      tpu.wait_indirect_dma semaphore(%arg23 : memref<!tpu.dma_semaphore, #tpu.memory_space<semaphore_mem>>) src(%dma_wait3A_48 : memref<50000xf32, #tpu.memory_space<hbm>>) dst(%arg13 : memref<2000xf32, #tpu.memory_space<vmem>>)
      %dma_wait3A_49 = arith.constant 0 : i32
      %dma_wait3A_50 = tpu.memref_slice %arg3[%dma_wait3A_49] : memref<50000xf32, #tpu.memory_space<hbm>> -> memref<50000xf32, #tpu.memory_space<hbm>>
      tpu.wait_indirect_dma semaphore(%arg23 : memref<!tpu.dma_semaphore, #tpu.memory_space<semaphore_mem>>) src(%dma_wait3A_50 : memref<50000xf32, #tpu.memory_space<hbm>>) dst(%arg14 : memref<2000xf32, #tpu.memory_space<vmem>>)
      %dma_wait3A_51 = arith.constant 0 : i32
      %dma_wait3A_52 = tpu.memref_slice %arg4[%dma_wait3A_51] : memref<50000xf32, #tpu.memory_space<hbm>> -> memref<50000xf32, #tpu.memory_space<hbm>>
      tpu.wait_indirect_dma semaphore(%arg23 : memref<!tpu.dma_semaphore, #tpu.memory_space<semaphore_mem>>) src(%dma_wait3A_52 : memref<50000xf32, #tpu.memory_space<hbm>>) dst(%arg15 : memref<2000xf32, #tpu.memory_space<vmem>>)
      %dma_wait3A_53 = arith.constant 0 : i32
      %dma_wait3A_54 = tpu.memref_slice %arg2[%dma_wait3A_53] : memref<50000xf32, #tpu.memory_space<hbm>> -> memref<50000xf32, #tpu.memory_space<hbm>>
      tpu.wait_indirect_dma semaphore(%arg23 : memref<!tpu.dma_semaphore, #tpu.memory_space<semaphore_mem>>) src(%dma_wait3A_54 : memref<50000xf32, #tpu.memory_space<hbm>>) dst(%arg16 : memref<2000xf32, #tpu.memory_space<vmem>>)
      %dma_wait3A_55 = arith.constant 0 : i32
      %dma_wait3A_56 = tpu.memref_slice %arg3[%dma_wait3A_55] : memref<50000xf32, #tpu.memory_space<hbm>> -> memref<50000xf32, #tpu.memory_space<hbm>>
      tpu.wait_indirect_dma semaphore(%arg23 : memref<!tpu.dma_semaphore, #tpu.memory_space<semaphore_mem>>) src(%dma_wait3A_56 : memref<50000xf32, #tpu.memory_space<hbm>>) dst(%arg17 : memref<2000xf32, #tpu.memory_space<vmem>>)
      %dma_wait3A_57 = arith.constant 0 : i32
      %dma_wait3A_58 = tpu.memref_slice %arg4[%dma_wait3A_57] : memref<50000xf32, #tpu.memory_space<hbm>> -> memref<50000xf32, #tpu.memory_space<hbm>>
      tpu.wait_indirect_dma semaphore(%arg23 : memref<!tpu.dma_semaphore, #tpu.memory_space<semaphore_mem>>) src(%dma_wait3A_58 : memref<50000xf32, #tpu.memory_space<hbm>>) dst(%arg18 : memref<2000xf32, #tpu.memory_space<vmem>>)
      %dma_wait3A_59 = arith.constant 0 : i32
      %dma_wait3A_60 = tpu.memref_slice %arg5[%dma_wait3A_59] : memref<50000xi32, #tpu.memory_space<hbm>> -> memref<50000xi32, #tpu.memory_space<hbm>>
      tpu.wait_indirect_dma semaphore(%arg23 : memref<!tpu.dma_semaphore, #tpu.memory_space<semaphore_mem>>) src(%dma_wait3A_60 : memref<50000xi32, #tpu.memory_space<hbm>>) dst(%arg19 : memref<2000xi32, #tpu.memory_space<vmem>>)
      %scan3A_61 = arith.constant 0 : i32
      %scan3A_62 = arith.constant 0 : i32
      %scan3A_63 = arith.constant 124 : i32
      %scan3A_64 = arith.addi %scan3A_62, %scan3A_63 : i32
      %scan3A_65 = arith.constant 2 : i32
      %scan3A_66 = scf.for %scan3A_142 = %scan3A_62 to %scan3A_64 step %scan3A_65 iter_args(%scan3A_143 = %scan3A_61) -> (i32)  : i32 {
        %mul3A_144 = arith.constant 16 : i32
        %mul3A_145 = arith.muli %scan3A_142, %mul3A_144 : i32
        %get3A_146 = arith.index_cast %mul3A_145 : i32 to index
        %get3A_147 = tpu.vector_load %arg13[%get3A_146] {strides = array<i32>} : memref<2000xf32, #tpu.memory_space<vmem>>, vector<16xf32>,
        %get3A_148 = arith.index_cast %mul3A_145 : i32 to index
        %get3A_149 = tpu.vector_load %arg16[%get3A_148] {strides = array<i32>} : memref<2000xf32, #tpu.memory_space<vmem>>, vector<16xf32>,
        %sub3A_150 = arith.subf %get3A_147, %get3A_149 : vector<16xf32>
        %get3A_151 = arith.index_cast %mul3A_145 : i32 to index
        %get3A_152 = tpu.vector_load %arg14[%get3A_151] {strides = array<i32>} : memref<2000xf32, #tpu.memory_space<vmem>>, vector<16xf32>,
        %get3A_153 = arith.index_cast %mul3A_145 : i32 to index
        %get3A_154 = tpu.vector_load %arg17[%get3A_153] {strides = array<i32>} : memref<2000xf32, #tpu.memory_space<vmem>>, vector<16xf32>,
        %sub3A_155 = arith.subf %get3A_152, %get3A_154 : vector<16xf32>
        %get3A_156 = arith.index_cast %mul3A_145 : i32 to index
        %get3A_157 = tpu.vector_load %arg15[%get3A_156] {strides = array<i32>} : memref<2000xf32, #tpu.memory_space<vmem>>, vector<16xf32>,
        %get3A_158 = arith.index_cast %mul3A_145 : i32 to index
        %get3A_159 = tpu.vector_load %arg18[%get3A_158] {strides = array<i32>} : memref<2000xf32, #tpu.memory_space<vmem>>, vector<16xf32>,
        %sub3A_160 = arith.subf %get3A_157, %get3A_159 : vector<16xf32>
        %mul3A_161 = arith.mulf %sub3A_150, %sub3A_150 : vector<16xf32>
        %mul3A_162 = arith.mulf %sub3A_155, %sub3A_155 : vector<16xf32>
        %add3A_163 = arith.addf %mul3A_161, %mul3A_162 : vector<16xf32>
        %mul3A_164 = arith.mulf %sub3A_160, %sub3A_160 : vector<16xf32>
        %add3A_165 = arith.addf %add3A_163, %mul3A_164 : vector<16xf32>
        %bitcast_convert_type3A_166 = tpu.bitcast %add3A_165 : vector<16xf32> -> vector<16xi32>
        %shift_right_arithmetic3A_167 = arith.constant 1 : i32
        %shift_right_arithmetic3A_168 = vector.broadcast %shift_right_arithmetic3A_167 : i32 to vector<16xi32>
        %shift_right_arithmetic3A_169 = arith.shrsi %bitcast_convert_type3A_166, %shift_right_arithmetic3A_168 : vector<16xi32>
        %sub3A_170 = arith.constant 1597463007 : i32
        %sub3A_171 = vector.broadcast %sub3A_170 : i32 to vector<16xi32>
        %sub3A_172 = arith.subi %sub3A_171, %shift_right_arithmetic3A_169 : vector<16xi32>
        %bitcast_convert_type3A_173 = tpu.bitcast %sub3A_172 : vector<16xi32> -> vector<16xf32>
        %mul3A_174 = arith.constant 5.000000e-01 : f32
        %mul3A_175 = vector.broadcast %mul3A_174 : f32 to vector<16xf32>
        %mul3A_176 = arith.mulf %mul3A_175, %add3A_165 : vector<16xf32>
        %mul3A_177 = arith.mulf %mul3A_176, %bitcast_convert_type3A_173 : vector<16xf32>
        %mul3A_178 = arith.mulf %mul3A_177, %bitcast_convert_type3A_173 : vector<16xf32>
        %sub3A_179 = arith.constant 1.500000e+00 : f32
        %sub3A_180 = vector.broadcast %sub3A_179 : f32 to vector<16xf32>
        %sub3A_181 = arith.subf %sub3A_180, %mul3A_178 : vector<16xf32>
        %mul3A_182 = arith.mulf %bitcast_convert_type3A_173, %sub3A_181 : vector<16xf32>
        %mul3A_183 = arith.constant 5.000000e-01 : f32
        %mul3A_184 = vector.broadcast %mul3A_183 : f32 to vector<16xf32>
        %mul3A_185 = arith.mulf %mul3A_184, %add3A_165 : vector<16xf32>
        %mul3A_186 = arith.mulf %mul3A_185, %mul3A_182 : vector<16xf32>
        %mul3A_187 = arith.mulf %mul3A_186, %mul3A_182 : vector<16xf32>
        %sub3A_188 = arith.constant 1.500000e+00 : f32
        %sub3A_189 = vector.broadcast %sub3A_188 : f32 to vector<16xf32>
        %sub3A_190 = arith.subf %sub3A_189, %mul3A_187 : vector<16xf32>
        %mul3A_191 = arith.mulf %mul3A_182, %sub3A_190 : vector<16xf32>
        %mul3A_192 = arith.constant 5.000000e-01 : f32
        %mul3A_193 = vector.broadcast %mul3A_192 : f32 to vector<16xf32>
        %mul3A_194 = arith.mulf %mul3A_193, %add3A_165 : vector<16xf32>
        %mul3A_195 = arith.mulf %mul3A_194, %mul3A_191 : vector<16xf32>
        %mul3A_196 = arith.mulf %mul3A_195, %mul3A_191 : vector<16xf32>
        %sub3A_197 = arith.constant 1.500000e+00 : f32
        %sub3A_198 = vector.broadcast %sub3A_197 : f32 to vector<16xf32>
        %sub3A_199 = arith.subf %sub3A_198, %mul3A_196 : vector<16xf32>
        %mul3A_200 = arith.mulf %mul3A_191, %sub3A_199 : vector<16xf32>
        %mul3A_201 = arith.mulf %add3A_165, %mul3A_200 : vector<16xf32>
        %swap3A_202 = arith.index_cast %mul3A_145 : i32 to index
        %swap3A_203 = tpu.vector_load %arg21[%swap3A_202] {strides = array<i32>} : memref<2000xf32, #tpu.memory_space<vmem>>, vector<16xf32>,
        tpu.vector_store %arg21[%swap3A_202], %mul3A_201 {strides = array<i32>} : memref<2000xf32, #tpu.memory_space<vmem>>, vector<16xf32>,
        %mul3A_204 = arith.constant 3 : i32
        %mul3A_205 = arith.muli %mul3A_145, %mul3A_204 : i32
        %add3A_206 = vector.broadcast %mul3A_205 : i32 to vector<16xi32>
        %add3A_207 = arith.addi %add3A_206, %mul3A_19 : vector<16xi32>
        tpu.vector_store_idx %arg20[%add3A_207], %sub3A_150 : memref<6000xf32, #tpu.memory_space<vmem>>[vector<16xi32>], vector<16xf32>,
        %add3A_208 = arith.constant 1 : i32
        %add3A_209 = vector.broadcast %add3A_208 : i32 to vector<16xi32>
        %add3A_210 = arith.addi %add3A_207, %add3A_209 : vector<16xi32>
        tpu.vector_store_idx %arg20[%add3A_210], %sub3A_155 : memref<6000xf32, #tpu.memory_space<vmem>>[vector<16xi32>], vector<16xf32>,
        %add3A_211 = arith.constant 2 : i32
        %add3A_212 = vector.broadcast %add3A_211 : i32 to vector<16xi32>
        %add3A_213 = arith.addi %add3A_207, %add3A_212 : vector<16xi32>
        tpu.vector_store_idx %arg20[%add3A_213], %sub3A_160 : memref<6000xf32, #tpu.memory_space<vmem>>[vector<16xi32>], vector<16xf32>,
        %get3A_214 = arith.index_cast %mul3A_145 : i32 to index
        %get3A_215 = tpu.vector_load %arg19[%get3A_214] {strides = array<i32>} : memref<2000xi32, #tpu.memory_space<vmem>>, vector<16xi32>,
        tpu.vector_store_idx %arg22[%get3A_215], %broadcast_in_dim3A_21 {add = true} : memref<128xi32, #tpu.memory_space<vmem>>[vector<16xi32>], vector<16xi32>,
        %scan3A_216 = arith.constant 0 : i32
        %scan3A_217 = arith.constant 1 : i32
        %scan3A_218 = arith.addi %scan3A_142, %scan3A_217 : i32
        %mul3A_219 = arith.constant 16 : i32
        %mul3A_220 = arith.muli %scan3A_218, %mul3A_219 : i32
        %get3A_221 = arith.index_cast %mul3A_220 : i32 to index
        %get3A_222 = tpu.vector_load %arg13[%get3A_221] {strides = array<i32>} : memref<2000xf32, #tpu.memory_space<vmem>>, vector<16xf32>,
        %get3A_223 = arith.index_cast %mul3A_220 : i32 to index
        %get3A_224 = tpu.vector_load %arg16[%get3A_223] {strides = array<i32>} : memref<2000xf32, #tpu.memory_space<vmem>>, vector<16xf32>,
        %sub3A_225 = arith.subf %get3A_222, %get3A_224 : vector<16xf32>
        %get3A_226 = arith.index_cast %mul3A_220 : i32 to index
        %get3A_227 = tpu.vector_load %arg14[%get3A_226] {strides = array<i32>} : memref<2000xf32, #tpu.memory_space<vmem>>, vector<16xf32>,
        %get3A_228 = arith.index_cast %mul3A_220 : i32 to index
        %get3A_229 = tpu.vector_load %arg17[%get3A_228] {strides = array<i32>} : memref<2000xf32, #tpu.memory_space<vmem>>, vector<16xf32>,
        %sub3A_230 = arith.subf %get3A_227, %get3A_229 : vector<16xf32>
        %get3A_231 = arith.index_cast %mul3A_220 : i32 to index
        %get3A_232 = tpu.vector_load %arg15[%get3A_231] {strides = array<i32>} : memref<2000xf32, #tpu.memory_space<vmem>>, vector<16xf32>,
        %get3A_233 = arith.index_cast %mul3A_220 : i32 to index
        %get3A_234 = tpu.vector_load %arg18[%get3A_233] {strides = array<i32>} : memref<2000xf32, #tpu.memory_space<vmem>>, vector<16xf32>,
        %sub3A_235 = arith.subf %get3A_232, %get3A_234 : vector<16xf32>
        %mul3A_236 = arith.mulf %sub3A_225, %sub3A_225 : vector<16xf32>
        %mul3A_237 = arith.mulf %sub3A_230, %sub3A_230 : vector<16xf32>
        %add3A_238 = arith.addf %mul3A_236, %mul3A_237 : vector<16xf32>
        %mul3A_239 = arith.mulf %sub3A_235, %sub3A_235 : vector<16xf32>
        %add3A_240 = arith.addf %add3A_238, %mul3A_239 : vector<16xf32>
        %bitcast_convert_type3A_241 = tpu.bitcast %add3A_240 : vector<16xf32> -> vector<16xi32>
        %shift_right_arithmetic3A_242 = arith.constant 1 : i32
        %shift_right_arithmetic3A_243 = vector.broadcast %shift_right_arithmetic3A_242 : i32 to vector<16xi32>
        %shift_right_arithmetic3A_244 = arith.shrsi %bitcast_convert_type3A_241, %shift_right_arithmetic3A_243 : vector<16xi32>
        %sub3A_245 = arith.constant 1597463007 : i32
        %sub3A_246 = vector.broadcast %sub3A_245 : i32 to vector<16xi32>
        %sub3A_247 = arith.subi %sub3A_246, %shift_right_arithmetic3A_244 : vector<16xi32>
        %bitcast_convert_type3A_248 = tpu.bitcast %sub3A_247 : vector<16xi32> -> vector<16xf32>
        %mul3A_249 = arith.constant 5.000000e-01 : f32
        %mul3A_250 = vector.broadcast %mul3A_249 : f32 to vector<16xf32>
        %mul3A_251 = arith.mulf %mul3A_250, %add3A_240 : vector<16xf32>
        %mul3A_252 = arith.mulf %mul3A_251, %bitcast_convert_type3A_248 : vector<16xf32>
        %mul3A_253 = arith.mulf %mul3A_252, %bitcast_convert_type3A_248 : vector<16xf32>
        %sub3A_254 = arith.constant 1.500000e+00 : f32
        %sub3A_255 = vector.broadcast %sub3A_254 : f32 to vector<16xf32>
        %sub3A_256 = arith.subf %sub3A_255, %mul3A_253 : vector<16xf32>
        %mul3A_257 = arith.mulf %bitcast_convert_type3A_248, %sub3A_256 : vector<16xf32>
        %mul3A_258 = arith.constant 5.000000e-01 : f32
        %mul3A_259 = vector.broadcast %mul3A_258 : f32 to vector<16xf32>
        %mul3A_260 = arith.mulf %mul3A_259, %add3A_240 : vector<16xf32>
        %mul3A_261 = arith.mulf %mul3A_260, %mul3A_257 : vector<16xf32>
        %mul3A_262 = arith.mulf %mul3A_261, %mul3A_257 : vector<16xf32>
        %sub3A_263 = arith.constant 1.500000e+00 : f32
        %sub3A_264 = vector.broadcast %sub3A_263 : f32 to vector<16xf32>
        %sub3A_265 = arith.subf %sub3A_264, %mul3A_262 : vector<16xf32>
        %mul3A_266 = arith.mulf %mul3A_257, %sub3A_265 : vector<16xf32>
        %mul3A_267 = arith.constant 5.000000e-01 : f32
        %mul3A_268 = vector.broadcast %mul3A_267 : f32 to vector<16xf32>
        %mul3A_269 = arith.mulf %mul3A_268, %add3A_240 : vector<16xf32>
        %mul3A_270 = arith.mulf %mul3A_269, %mul3A_266 : vector<16xf32>
        %mul3A_271 = arith.mulf %mul3A_270, %mul3A_266 : vector<16xf32>
        %sub3A_272 = arith.constant 1.500000e+00 : f32
        %sub3A_273 = vector.broadcast %sub3A_272 : f32 to vector<16xf32>
        %sub3A_274 = arith.subf %sub3A_273, %mul3A_271 : vector<16xf32>
        %mul3A_275 = arith.mulf %mul3A_266, %sub3A_274 : vector<16xf32>
        %mul3A_276 = arith.mulf %add3A_240, %mul3A_275 : vector<16xf32>
        %swap3A_277 = arith.index_cast %mul3A_220 : i32 to index
        %swap3A_278 = tpu.vector_load %arg21[%swap3A_277] {strides = array<i32>} : memref<2000xf32, #tpu.memory_space<vmem>>, vector<16xf32>,
        tpu.vector_store %arg21[%swap3A_277], %mul3A_276 {strides = array<i32>} : memref<2000xf32, #tpu.memory_space<vmem>>, vector<16xf32>,
        %mul3A_279 = arith.constant 3 : i32
        %mul3A_280 = arith.muli %mul3A_220, %mul3A_279 : i32
        %add3A_281 = vector.broadcast %mul3A_280 : i32 to vector<16xi32>
        %add3A_282 = arith.addi %add3A_281, %mul3A_19 : vector<16xi32>
        tpu.vector_store_idx %arg20[%add3A_282], %sub3A_225 : memref<6000xf32, #tpu.memory_space<vmem>>[vector<16xi32>], vector<16xf32>,
        %add3A_283 = arith.constant 1 : i32
        %add3A_284 = vector.broadcast %add3A_283 : i32 to vector<16xi32>
        %add3A_285 = arith.addi %add3A_282, %add3A_284 : vector<16xi32>
        tpu.vector_store_idx %arg20[%add3A_285], %sub3A_230 : memref<6000xf32, #tpu.memory_space<vmem>>[vector<16xi32>], vector<16xf32>,
        %add3A_286 = arith.constant 2 : i32
        %add3A_287 = vector.broadcast %add3A_286 : i32 to vector<16xi32>
        %add3A_288 = arith.addi %add3A_282, %add3A_287 : vector<16xi32>
        tpu.vector_store_idx %arg20[%add3A_288], %sub3A_235 : memref<6000xf32, #tpu.memory_space<vmem>>[vector<16xi32>], vector<16xf32>,
        %get3A_289 = arith.index_cast %mul3A_220 : i32 to index
        %get3A_290 = tpu.vector_load %arg19[%get3A_289] {strides = array<i32>} : memref<2000xi32, #tpu.memory_space<vmem>>, vector<16xi32>,
        tpu.vector_store_idx %arg22[%get3A_290], %broadcast_in_dim3A_21 {add = true} : memref<128xi32, #tpu.memory_space<vmem>>[vector<16xi32>], vector<16xi32>,
        %scan3A_291 = arith.constant 0 : i32
        scf.yield %scan3A_291 : i32
      }
      %scan3A_67 = arith.constant 124 : i32
      %scan3A_68 = arith.addi %scan3A_62, %scan3A_67 : i32
      %mul3A_69 = arith.constant 16 : i32
      %mul3A_70 = arith.muli %scan3A_68, %mul3A_69 : i32
      %get3A = arith.index_cast %mul3A_70 : i32 to index
      %get3A_71 = tpu.vector_load %arg13[%get3A] {strides = array<i32>} : memref<2000xf32, #tpu.memory_space<vmem>>, vector<16xf32>,
      %get3A_72 = arith.index_cast %mul3A_70 : i32 to index
      %get3A_73 = tpu.vector_load %arg16[%get3A_72] {strides = array<i32>} : memref<2000xf32, #tpu.memory_space<vmem>>, vector<16xf32>,
      %sub3A = arith.subf %get3A_71, %get3A_73 : vector<16xf32>
      %get3A_74 = arith.index_cast %mul3A_70 : i32 to index
      %get3A_75 = tpu.vector_load %arg14[%get3A_74] {strides = array<i32>} : memref<2000xf32, #tpu.memory_space<vmem>>, vector<16xf32>,
      %get3A_76 = arith.index_cast %mul3A_70 : i32 to index
      %get3A_77 = tpu.vector_load %arg17[%get3A_76] {strides = array<i32>} : memref<2000xf32, #tpu.memory_space<vmem>>, vector<16xf32>,
      %sub3A_78 = arith.subf %get3A_75, %get3A_77 : vector<16xf32>
      %get3A_79 = arith.index_cast %mul3A_70 : i32 to index
      %get3A_80 = tpu.vector_load %arg15[%get3A_79] {strides = array<i32>} : memref<2000xf32, #tpu.memory_space<vmem>>, vector<16xf32>,
      %get3A_81 = arith.index_cast %mul3A_70 : i32 to index
      %get3A_82 = tpu.vector_load %arg18[%get3A_81] {strides = array<i32>} : memref<2000xf32, #tpu.memory_space<vmem>>, vector<16xf32>,
      %sub3A_83 = arith.subf %get3A_80, %get3A_82 : vector<16xf32>
      %mul3A_84 = arith.mulf %sub3A, %sub3A : vector<16xf32>
      %mul3A_85 = arith.mulf %sub3A_78, %sub3A_78 : vector<16xf32>
      %add3A_86 = arith.addf %mul3A_84, %mul3A_85 : vector<16xf32>
      %mul3A_87 = arith.mulf %sub3A_83, %sub3A_83 : vector<16xf32>
      %add3A_88 = arith.addf %add3A_86, %mul3A_87 : vector<16xf32>
      %bitcast_convert_type3A = tpu.bitcast %add3A_88 : vector<16xf32> -> vector<16xi32>
      %shift_right_arithmetic3A = arith.constant 1 : i32
      %shift_right_arithmetic3A_89 = vector.broadcast %shift_right_arithmetic3A : i32 to vector<16xi32>
      %shift_right_arithmetic3A_90 = arith.shrsi %bitcast_convert_type3A, %shift_right_arithmetic3A_89 : vector<16xi32>
      %sub3A_91 = arith.constant 1597463007 : i32
      %sub3A_92 = vector.broadcast %sub3A_91 : i32 to vector<16xi32>
      %sub3A_93 = arith.subi %sub3A_92, %shift_right_arithmetic3A_90 : vector<16xi32>
      %bitcast_convert_type3A_94 = tpu.bitcast %sub3A_93 : vector<16xi32> -> vector<16xf32>
      %mul3A_95 = arith.constant 5.000000e-01 : f32
      %mul3A_96 = vector.broadcast %mul3A_95 : f32 to vector<16xf32>
      %mul3A_97 = arith.mulf %mul3A_96, %add3A_88 : vector<16xf32>
      %mul3A_98 = arith.mulf %mul3A_97, %bitcast_convert_type3A_94 : vector<16xf32>
      %mul3A_99 = arith.mulf %mul3A_98, %bitcast_convert_type3A_94 : vector<16xf32>
      %sub3A_100 = arith.constant 1.500000e+00 : f32
      %sub3A_101 = vector.broadcast %sub3A_100 : f32 to vector<16xf32>
      %sub3A_102 = arith.subf %sub3A_101, %mul3A_99 : vector<16xf32>
      %mul3A_103 = arith.mulf %bitcast_convert_type3A_94, %sub3A_102 : vector<16xf32>
      %mul3A_104 = arith.constant 5.000000e-01 : f32
      %mul3A_105 = vector.broadcast %mul3A_104 : f32 to vector<16xf32>
      %mul3A_106 = arith.mulf %mul3A_105, %add3A_88 : vector<16xf32>
      %mul3A_107 = arith.mulf %mul3A_106, %mul3A_103 : vector<16xf32>
      %mul3A_108 = arith.mulf %mul3A_107, %mul3A_103 : vector<16xf32>
      %sub3A_109 = arith.constant 1.500000e+00 : f32
      %sub3A_110 = vector.broadcast %sub3A_109 : f32 to vector<16xf32>
      %sub3A_111 = arith.subf %sub3A_110, %mul3A_108 : vector<16xf32>
      %mul3A_112 = arith.mulf %mul3A_103, %sub3A_111 : vector<16xf32>
      %mul3A_113 = arith.constant 5.000000e-01 : f32
      %mul3A_114 = vector.broadcast %mul3A_113 : f32 to vector<16xf32>
      %mul3A_115 = arith.mulf %mul3A_114, %add3A_88 : vector<16xf32>
      %mul3A_116 = arith.mulf %mul3A_115, %mul3A_112 : vector<16xf32>
      %mul3A_117 = arith.mulf %mul3A_116, %mul3A_112 : vector<16xf32>
      %sub3A_118 = arith.constant 1.500000e+00 : f32
      %sub3A_119 = vector.broadcast %sub3A_118 : f32 to vector<16xf32>
      %sub3A_120 = arith.subf %sub3A_119, %mul3A_117 : vector<16xf32>
      %mul3A_121 = arith.mulf %mul3A_112, %sub3A_120 : vector<16xf32>
      %mul3A_122 = arith.mulf %add3A_88, %mul3A_121 : vector<16xf32>
      %swap3A_123 = arith.index_cast %mul3A_70 : i32 to index
      %swap3A_124 = tpu.vector_load %arg21[%swap3A_123] {strides = array<i32>} : memref<2000xf32, #tpu.memory_space<vmem>>, vector<16xf32>,
      tpu.vector_store %arg21[%swap3A_123], %mul3A_122 {strides = array<i32>} : memref<2000xf32, #tpu.memory_space<vmem>>, vector<16xf32>,
      %mul3A_125 = arith.constant 3 : i32
      %mul3A_126 = arith.muli %mul3A_70, %mul3A_125 : i32
      %add3A_127 = vector.broadcast %mul3A_126 : i32 to vector<16xi32>
      %add3A_128 = arith.addi %add3A_127, %mul3A_19 : vector<16xi32>
      tpu.vector_store_idx %arg20[%add3A_128], %sub3A : memref<6000xf32, #tpu.memory_space<vmem>>[vector<16xi32>], vector<16xf32>,
      %add3A_129 = arith.constant 1 : i32
      %add3A_130 = vector.broadcast %add3A_129 : i32 to vector<16xi32>
      %add3A_131 = arith.addi %add3A_128, %add3A_130 : vector<16xi32>
      tpu.vector_store_idx %arg20[%add3A_131], %sub3A_78 : memref<6000xf32, #tpu.memory_space<vmem>>[vector<16xi32>], vector<16xf32>,
      %add3A_132 = arith.constant 2 : i32
      %add3A_133 = vector.broadcast %add3A_132 : i32 to vector<16xi32>
      %add3A_134 = arith.addi %add3A_128, %add3A_133 : vector<16xi32>
      tpu.vector_store_idx %arg20[%add3A_134], %sub3A_83 : memref<6000xf32, #tpu.memory_space<vmem>>[vector<16xi32>], vector<16xf32>,
      %get3A_135 = arith.index_cast %mul3A_70 : i32 to index
      %get3A_136 = tpu.vector_load %arg19[%get3A_135] {strides = array<i32>} : memref<2000xi32, #tpu.memory_space<vmem>>, vector<16xi32>,
      tpu.vector_store_idx %arg22[%get3A_136], %broadcast_in_dim3A_21 {add = true} : memref<128xi32, #tpu.memory_space<vmem>>[vector<16xi32>], vector<16xi32>,
      %scan3A_137 = arith.constant 0 : i32
      %scan3A_138 = arith.constant 125 : i32
      %mul3A_139 = arith.constant 3 : i32
      %mul3A_140 = arith.muli %mul3A_139, %add3A_34 : i32
      "tpu.region"() ({
        %run_scoped3A = tpu.sem_alloc : memref<!tpu.dma_semaphore, #tpu.memory_space<semaphore_mem>>
        %dma_start3A_142 = tpu.memref_slice %arg8[%mul3A_140] : memref<4800000xf32, #tpu.memory_space<hbm>> -> memref<6000xf32, #tpu.memory_space<hbm>>
        %dma_start3A_143 = tpu.memref_slice %arg8[%mul3A_140] : memref<4800000xf32, #tpu.memory_space<hbm>> -> memref<6000xf32, #tpu.memory_space<hbm>>
        tpu.enqueue_dma source(%arg20 : memref<6000xf32, #tpu.memory_space<vmem>>) target(%dma_start3A_143 : memref<6000xf32, #tpu.memory_space<hbm>>) target_semaphore(%run_scoped3A : memref<!tpu.dma_semaphore, #tpu.memory_space<semaphore_mem>>)
        %dma_wait3A_144 = tpu.memref_slice %arg8[%mul3A_140] : memref<4800000xf32, #tpu.memory_space<hbm>> -> memref<6000xf32, #tpu.memory_space<hbm>>
        %dma_wait3A_145 = tpu.memref_slice %arg8[%mul3A_140] : memref<4800000xf32, #tpu.memory_space<hbm>> -> memref<6000xf32, #tpu.memory_space<hbm>>
        tpu.wait_dma2 semaphore(%run_scoped3A : memref<!tpu.dma_semaphore, #tpu.memory_space<semaphore_mem>>) src(%arg20 : memref<6000xf32, #tpu.memory_space<vmem>>) dst(%dma_wait3A_145 : memref<6000xf32, #tpu.memory_space<hbm>>)
        tpu.yield
      }) : () -> ()
      "tpu.region"() ({
        %run_scoped3A = tpu.sem_alloc : memref<!tpu.dma_semaphore, #tpu.memory_space<semaphore_mem>>
        %dma_start3A_142 = tpu.memref_slice %arg9[%add3A_34] : memref<1600000xf32, #tpu.memory_space<hbm>> -> memref<2000xf32, #tpu.memory_space<hbm>>
        %dma_start3A_143 = tpu.memref_slice %arg9[%add3A_34] : memref<1600000xf32, #tpu.memory_space<hbm>> -> memref<2000xf32, #tpu.memory_space<hbm>>
        tpu.enqueue_dma source(%arg21 : memref<2000xf32, #tpu.memory_space<vmem>>) target(%dma_start3A_143 : memref<2000xf32, #tpu.memory_space<hbm>>) target_semaphore(%run_scoped3A : memref<!tpu.dma_semaphore, #tpu.memory_space<semaphore_mem>>)
        %dma_wait3A_144 = tpu.memref_slice %arg9[%add3A_34] : memref<1600000xf32, #tpu.memory_space<hbm>> -> memref<2000xf32, #tpu.memory_space<hbm>>
        %dma_wait3A_145 = tpu.memref_slice %arg9[%add3A_34] : memref<1600000xf32, #tpu.memory_space<hbm>> -> memref<2000xf32, #tpu.memory_space<hbm>>
        tpu.wait_dma2 semaphore(%run_scoped3A : memref<!tpu.dma_semaphore, #tpu.memory_space<semaphore_mem>>) src(%arg21 : memref<2000xf32, #tpu.memory_space<vmem>>) dst(%dma_wait3A_145 : memref<2000xf32, #tpu.memory_space<hbm>>)
        tpu.yield
      }) : () -> ()
      %scan3A_141 = arith.constant 0 : i32
      scf.yield %scan3A_141 : i32
    }
    %scan3A_27 = arith.constant 25 : i32
    "tpu.region"() ({
      %run_scoped3A = tpu.sem_alloc : memref<!tpu.dma_semaphore, #tpu.memory_space<semaphore_mem>>
      %dma_start3A = arith.constant 0 : i32
      %dma_start3A_28 = tpu.memref_slice %arg10[%add3A, %dma_start3A] : memref<32x128xi32, #tpu.memory_space<hbm>> -> memref<1x128xi32, #tpu.memory_space<hbm>>
      %dma_start3A_29 = tpu.memref_squeeze %dma_start3A_28 : memref<1x128xi32, #tpu.memory_space<hbm>> -> memref<128xi32, #tpu.memory_space<hbm>>
      %dma_start3A_30 = arith.constant 0 : i32
      %dma_start3A_31 = tpu.memref_slice %arg10[%add3A, %dma_start3A_30] : memref<32x128xi32, #tpu.memory_space<hbm>> -> memref<1x128xi32, #tpu.memory_space<hbm>>
      %dma_start3A_32 = tpu.memref_squeeze %dma_start3A_31 : memref<1x128xi32, #tpu.memory_space<hbm>> -> memref<128xi32, #tpu.memory_space<hbm>>
      tpu.enqueue_dma source(%arg22 : memref<128xi32, #tpu.memory_space<vmem>>) target(%dma_start3A_32 : memref<128xi32, #tpu.memory_space<hbm>>) target_semaphore(%run_scoped3A : memref<!tpu.dma_semaphore, #tpu.memory_space<semaphore_mem>>)
      %dma_wait3A = arith.constant 0 : i32
      %dma_wait3A_33 = tpu.memref_slice %arg10[%add3A, %dma_wait3A] : memref<32x128xi32, #tpu.memory_space<hbm>> -> memref<1x128xi32, #tpu.memory_space<hbm>>
      %dma_wait3A_34 = tpu.memref_squeeze %dma_wait3A_33 : memref<1x128xi32, #tpu.memory_space<hbm>> -> memref<128xi32, #tpu.memory_space<hbm>>
      %dma_wait3A_35 = arith.constant 0 : i32
      %dma_wait3A_36 = tpu.memref_slice %arg10[%add3A, %dma_wait3A_35] : memref<32x128xi32, #tpu.memory_space<hbm>> -> memref<1x128xi32, #tpu.memory_space<hbm>>
      %dma_wait3A_37 = tpu.memref_squeeze %dma_wait3A_36 : memref<1x128xi32, #tpu.memory_space<hbm>> -> memref<128xi32, #tpu.memory_space<hbm>>
      tpu.wait_dma2 semaphore(%run_scoped3A : memref<!tpu.dma_semaphore, #tpu.memory_space<semaphore_mem>>) src(%arg22 : memref<128xi32, #tpu.memory_space<vmem>>) dst(%dma_wait3A_37 : memref<128xi32, #tpu.memory_space<hbm>>)
      tpu.yield
    }) : () -> ()
    return
  }
}

</mosaic_0001>

<sc_bundles>
// kernel: kernel.3.cloned.1.call-start
scs
__scs_entry_jumppad:
0x0: {  	(pc) =	sbr.rel $0x88, $3  }
0x1: {  	(tag) =	ssettag $0x0;
	lr =	simm.s32 $0x1  }
0x2: {  	[smem:$0x3F9E] =	sst lr;
	_ =	strace $0xD0000000  }
0x3: {  	_ = 	snop  }
0x4: {  	_ = 	snop  }
0x5: {  	_ = 	snop  }
0x6: {  	_ = 	snop  }
0x7: {  	_ = 	snop  }
__scs_overlays_trampoline_lowered:
0x8: {  	[smem:$0x3FAD] =	sst s0  }
0x9: {  	[smem:$0x3FAE] =	sst s1  }
0xa: {  	[smem:$0x3FAF] =	sst s2  }
0xb: {  	[smem:$0x3FB0] =	sst s3  }
0xc: {  	[smem:$0x3FB1] =	sst s4  }
0xd: {  	[smem:$0x3FB2] =	sst s5  }
0xe: {  	[smem:$0x3FB3] =	sst s6  }
0xf: {  	[smem:$0x3FB4] =	sst s7  }
0x10: {  	[smem:$0x3FB5] =	sst s8  }
0x11: {  	[smem:$0x3FB6] =	sst s9;
	s0 =	simm.s32 @!p0 $0x0  }
0x12: {  	s1 =	sld [smem:$0x3F9C];
	s0 =	simm.s32 @p0 $0x1  }
0x13: {  	[smem:$0x3FB7] =	sst s0;
	s0 =	simm.s32 @!p1 $0x0  }
0x14: {  	s2 =	sld [smem:$0x3F9B];
	s0 =	simm.s32 @p1 $0x1  }
0x15: {  	[smem:$0x3FB8] =	sst s0;
	s0 =	simm.s32 @!p2 $0x0  }
0x16: {  	s3 =	sld [smem:$0x3FDB];
	s0 =	simm.s32 @p2 $0x1  }
0x17: {  	s4 =	simm.s32 $0x1BF5;
	[smem:$0x3FBA] =	sst s0  }
0x18: {  	s0 =	sld [smem:$0x3F9D];
	_ =	swait.ge [sflag:s4], $0x0  }
0x19: {  	s7 =	sld [smem:$0x3F9E]  }
0x1a: {  	s8 =	sadd.s32 $0xFFFFE003, lr  }
0x1b: {  	s9 =	sadd.s32 $0xFFFFFEF7, lr;
	s5 =	simm.s32 $0xFFFFFFFF;
	p2 =	slt.u32 s8, $0xFFFFF086  }
0x1c: {  	p1 =	slt.u32 s9, $0xF7A;
	s5 =	simm.s32 @!p2 $0x0  }
0x1d: {  	s5 =	simm.s32 @p1 $0x1;
	p0 =	seq.s32 s7, s2  }
0x1e: {  	s7 =	smul.u32 @!p0 $0xF7A, s2;
	p2 =	seq.s32 @!p0 s5, $0x0  }
0x1f: {  	s9 =	smul.u32 $0xF7A, s1;
	s8 =	simm.s32 @!p0 $0x1BF5;
	p2 =	por !p2, p0  }
0x20: {  	[sflag:s8] =	ssyncset.s32 @!p0 $0xFFFFF086;
	s6 =	sadd.s32 @!p0 s3, s7;
	s7 =	simm.s32 @!p0 $0x108  }
0x21: {  	s3 =	sadd.s32 s3, s9;
	s6 =	sadd.s32 @!p0 $0x88, s6;
	s7 =	simm.s32 @p2 $0x1082  }
0x22: {  	[simem:s7], [sflag:s8] =	dma.local @!p0 [hbm:s6], $0xF7A  }
0x23: {  	s9 =	sor.u32 $0xD0000000, s2;
	s6 =	simm.s32 $0x108;
	_ =	swait.ge @!p0 [sflag:s8], $0x0  }
0x24: {  	s3 =	sadd.s32 $0x88, s3;
	s6 =	simm.s32 @!p1 $0x1082;
	[sflag:s4] =	ssyncset.s32 $0xFFFFF086  }
0x25: {  	[simem:s6], [sflag:s4] =	dma.local [hbm:s3], $0xF7A  }
0x26: {  	[smem:$0x3F9E] =	sst s1;
	(tag) =	ssettag s2;
	_ =	strace s9  }
0x27: {  	s1 =	sld [smem:$0x3FAE]  }
0x28: {  	s2 =	sld [smem:$0x3FAF]  }
0x29: {  	s4 =	sld [smem:$0x3FB1]  }
0x2a: {  	p0 =	seq.s32 s5, $0x0;
	s5 =	sld [smem:$0x3FB2]  }
0x2b: {  	s6 =	sld [smem:$0x3FB3]  }
0x2c: {  	s7 =	sld [smem:$0x3FB4]  }
0x2d: {  	s3 =	simm.s32 $0x108;
	s8 =	sld [smem:$0x3FB5]  }
0x2e: {  	s3 =	simm.s32 @!p0 $0x1082;
	s9 =	sld [smem:$0x3FB6]  }
0x2f: {  	lr =	sadd.s32 s0, s3;
	s0 =	sld [smem:$0x3FAD]  }
0x30: {  	s3 =	sld [smem:$0x3FB0]  }
0x31: {  	[smem:$0x3FB9] =	sst s10  }
0x32: {  	s10 =	sld [smem:$0x3FB7];
	_ =	sdelay $0x3  }
0x33: {  	p0 =	seq.s32 s10, $0x1;
	s10 =	sld [smem:$0x3FB9];
	_ =	sdelay $0x3  }
0x34: {  	[smem:$0x3FB9] =	sst s10  }
0x35: {  	s10 =	sld [smem:$0x3FB8];
	_ =	sdelay $0x3  }
0x36: {  	p1 =	seq.s32 s10, $0x1;
	s10 =	sld [smem:$0x3FB9];
	_ =	sdelay $0x3  }
0x37: {  	[smem:$0x3FB9] =	sst s10  }
0x38: {  	s10 =	sld [smem:$0x3FBA]  }
0x39: {  	_ = 	snop;
	(pc) =	sbr.ind lr, $3  }
0x3a: {  	_ = 	snop  }
0x3b: {  	_ = 	snop  }
0x3c: {  	p2 =	seq.s32 s10, $0x1;
	s10 =	sld [smem:$0x3FB9]  }
0x3d: {  	_ =	shalt  }
0x3e: {  	_ =	shalt  }
0x3f: {  	_ =	shalt  }
0x40: {  	_ =	shalt  }
0x41: {  	_ =	shalt  }
0x42: {  	_ =	shalt  }
0x43: {  	_ =	shalt  }
0x44: {  	_ =	shalt  }
0x45: {  	_ =	shalt  }
0x46: {  	_ =	shalt  }
0x47: {  	_ =	shalt  }
0x48: {  	_ =	shalt  }
0x49: {  	_ =	shalt  }
0x4a: {  	_ =	shalt  }
0x4b: {  	_ =	shalt  }
0x4c: {  	_ =	shalt  }
0x4d: {  	_ =	shalt  }
0x4e: {  	_ =	shalt  }
0x4f: {  	_ =	shalt  }
0x50: {  	_ =	shalt  }
0x51: {  	_ =	shalt  }
0x52: {  	_ =	shalt  }
0x53: {  	_ =	shalt  }
0x54: {  	_ =	shalt  }
0x55: {  	_ =	shalt  }
0x56: {  	_ =	shalt  }
0x57: {  	_ =	shalt  }
0x58: {  	_ =	shalt  }
0x59: {  	_ =	shalt  }
0x5a: {  	_ =	shalt  }
0x5b: {  	_ =	shalt  }
0x5c: {  	_ =	shalt  }
0x5d: {  	_ =	shalt  }
0x5e: {  	_ =	shalt  }
0x5f: {  	_ =	shalt  }
0x60: {  	_ =	shalt  }
0x61: {  	_ =	shalt  }
0x62: {  	_ =	shalt  }
0x63: {  	_ =	shalt  }
0x64: {  	_ =	shalt  }
0x65: {  	_ =	shalt  }
0x66: {  	_ =	shalt  }
0x67: {  	_ =	shalt  }
0x68: {  	_ =	shalt  }
0x69: {  	_ =	shalt  }
0x6a: {  	_ =	shalt  }
0x6b: {  	_ =	shalt  }
0x6c: {  	_ =	shalt  }
0x6d: {  	_ =	shalt  }
0x6e: {  	_ =	shalt  }
0x6f: {  	_ =	shalt  }
0x70: {  	_ =	shalt  }
0x71: {  	_ =	shalt  }
0x72: {  	_ =	shalt  }
0x73: {  	_ =	shalt  }
0x74: {  	_ =	shalt  }
0x75: {  	_ =	shalt  }
0x76: {  	_ =	shalt  }
0x77: {  	_ =	shalt  }
0x78: {  	_ =	shalt  }
0x79: {  	_ =	shalt  }
0x7a: {  	_ =	shalt  }
0x7b: {  	_ =	shalt  }
0x7c: {  	_ =	shalt  }
0x7d: {  	_ =	shalt  }
0x7e: {  	_ =	shalt  }
0x7f: {  	_ =	shalt  }
0x80: {  	_ =	shalt  }
0x81: {  	_ =	shalt  }
0x82: {  	_ =	shalt  }
0x83: {  	_ =	shalt  }
0x84: {  	_ =	shalt  }
0x85: {  	_ =	shalt  }
0x86: {  	_ =	shalt  }
0x87: {  	_ =	shalt  }
.Lfunc_end0:
.L_simem_size_0:
called_computation_lowered:
.L_overlay_start_0:
0x88: {  	s2 =	sld [smem:$0x3FD9]  }
0x89: {  	s3 =	sld [smem:$0x3FFE];
	_ =	sdelay $0x1  }
0x8a: {  	s1 =	srdreg.scid  }
0x8b: {  	s0 =	sand.u32 $0x1, s1  }
0x8c: {  	s14 =	sshll.u32 s0, $0xA;
	s2 =	sadd.s32 s3, s2  }
0x8d: {  	s2 =	sadd.s32 s2, s14  }
0x8e: {  	[smem:$0x3FC5] =	sst s2  }
0x8f: {  	_ = 	snop  }
0x90: {  	s2 =	sld [smem:$0x3FD0];
	_ =	sdelay $0x2  }
0x91: {  	s4 =	simm.s32 $0xA;
	s5 =	simm.s32 $0x10;
	s15 =	sld [smem:$0x3FC7]  }
0x92: {  	[smem:s5], [sflag:s4] =	dma.local [hbm:s2], $0x1  }
0x93: {  	_ =	swait.eq [sflag:s4], $0x1  }
0x94: {  	s16 =	sld [smem:$0x10]  }
0x95: {  	s17 =	sld [smem:$0x11]  }
0x96: {  	s6 =	sld [smem:$0x12];
	[sflag:s4] =	ssyncset.done $0x0  }
0x97: {  	s7 =	sld [smem:$0x13];
	[sflag:s4] =	ssyncadd.s32 $0xFFFFFFFF  }
0x98: {  	s18 =	sld [smem:$0x14];
	(tm) =	ssettm $0x1  }
0x99: {  	s8 =	sld [smem:$0x3FFB];
	_ =	sdelay $0x3  }
0x9a: {  	_ =	strace s8  }
0x9b: {  	s8 =	sld [smem:$0x3FFC];
	_ =	sdelay $0x3  }
0x9c: {  	_ =	strace s8  }
0x9d: {  	s8 =	sld [smem:$0x3FFD];
	_ =	sdelay $0x3  }
0x9e: {  	_ =	strace s8  }
0x9f: {  	_ =	strace $0x8FFFFFFF  }
0xa0: {  	s19 =	sld [smem:$0x3FDB];
	_ =	sdelay $0x1  }
0xa1: {  	s9 =	simm.s32 $_scs_section_size  }
0xa2: {  	s10 =	simm.s32 $_size__tile_overlayer_lowered;
	s11 =	simm.s32 $_tile_overlayer_lowered  }
0xa3: {  	s22 =	simm.s32 $0x1BFF;
	s21 =	sshll.u32 s11, $0x1;
	s8 =	sadd.s32 s9, s19  }
0xa4: {  	s12 =	simm.s32 $0x0;
	s20 =	sshll.u32 s10, $0x1;
	s10 =	sadd.s32 s21, s8  }
0xa5: {  	[timem:s12], [sflag:s22] =	dma.local [hbm:s10], s20  }
0xa6: {  	_ =	swait.ge [sflag:s22], s20  }
0xa7: {  	s9 =	ssub.s32 $0x0, s20;
	[sflag:s22] =	ssyncset.done $0x0  }
0xa8: {  	[sflag:s22] =	ssyncadd.s32 s9;
	_ =	sdelay $0x1  }
0xa9: {  	s23 =	simm.s32 $0x1B8B  }
0xaa: {  	_ =	swait.ge [sflag:s23], $0x1  }
0xab: {  	[sflag:s23] =	ssyncset.done $0x0  }
0xac: {  	s25 =	simm.s32 $0x1B8E;
	s24 =	sld [smem:$0x3FFE];
	[sflag:s23] =	ssyncadd.s32 $0xFFFFFFFF  }
0xad: {  	s26 =	simm.s32 $execute0_lowered;
	[smem:$0x3FD2] =	sst s25  }
0xae: {  	s10 =	sshll.u32 s26, $0x1;
	_ =	strace $0x80000046;
	[dreg:$0x1] =	wrdreg $0xFFFFFFFF  }
0xaf: {  	s28 =	simm.s32 $_size_execute0_lowered;
	s8 =	sadd.s32 s8, s10;
	[dreg:$0x0] =	wrdreg $0x0  }
0xb0: {  	s10 =	sshll.u32 s28, $0x1;
	[dreg:$0x2] =	wrdreg s8  }
0xb1: {  	[dreg:$0x3] =	wrdreg s10  }
0xb2: {  	[dreg:$0x4] =	wrdreg $0xC0  }
0xb3: {  	_ =	task [dreg:s12], $0x5FFFF  }
0xb4: {  	[dreg:$0x1] =	wrdreg $0xFFFFFFFF  }
0xb5: {  	[dreg:$0x0] =	wrdreg $0x60  }
0xb6: {  	[dreg:$0x2] =	wrdreg s24  }
0xb7: {  	[dreg:$0x3] =	wrdreg s6  }
0xb8: {  	[dreg:$0x4] =	wrdreg s15  }
0xb9: {  	[dreg:$0x5] =	wrdreg s7  }
0xba: {  	[dreg:$0x6] =	wrdreg s16  }
0xbb: {  	[dreg:$0x7] =	wrdreg s18  }
0xbc: {  	[dreg:$0x8] =	wrdreg s17  }
0xbd: {  	[dreg:$0x9] =	wrdreg $0x9  }
0xbe: {  	_ =	task.clear_ibuf [dreg:s12], $0xAFFFF;
	_ =	strace $0x90000046  }
0xbf: {  	s29 =	simm.s32 $0x9;
	_ =	strace $0x80000048  }
0xc0: {  	_ =	swait.ge [sflag:s29], $0x1  }
0xc1: {  	[sflag:s29] =	ssyncadd.s32 $0xFFFFFFFF  }
0xc2: {  	_ =	strace $0x90000048  }
0xc3: {  	_ =	sfence  }
0xc4: {  	s30 =	sld [smem:$0x0];
	_ =	sdelay $0x2  }
0xc5: {  	s31 =	sshll.u32 s1, $0xD;
	s1 =	sshrl.u32 s1, $0x2  }
0xc6: {  	s3 =	sand.u32 $0x4000, s31;
	s1 =	sadd.s32 s1, s30  }
0xc7: {  	s0 =	sor.u32 s3, s0;
	s1 =	sshll.u32 s1, $0x11  }
0xc8: {  	s0 =	sor.u32 s1, s0  }
0xc9: {  	s0 =	sadd.s32 $0x8F2B, s0  }
0xca: {  	[sflag:s0] =	ssyncadd.remote.s32 $0x1  }
0xcb: {  	_ =	sfence.sel $0xFFFF  }
0xcc: {  	[dreg:$0x0] =	wrdreg $0xFFFFFFFF;
	(pc) =	sbr.abs _section_cstart, $3  }
0xcd: {  	[dreg:$0x1] =	wrdreg $0xFFFFFFFF  }
0xce: {  	_ =	task.clear_ibuf [dreg:s12], $0x2FFFF;
	_ =	strace $0x9FFFFFFF  }
0xcf: {  	(tm) =	ssettm $0x7FFFFFFF  }
tec
execute0_lowered:
.L_overlay_start_1:
0x0: {  	(tag) =	ssettag $0x1  }
0x1: {  	s0 =	rddreg [dreg:$0x0]  }
0x2: {  	s2 =	rddreg [dreg:$0x1]  }
0x3: {  	s1 =	srdreg.scid;
	s3 =	stileid.u32  }
0x4: {  	s9 =	simm.s32 $0x0;
	s14 =	simm.s32 $0x2;
	s15 =	simm.s32 $0x800  }
0x5: {  	s16 =	simm.s32 $0x7D0;
	s19 =	simm.s32 $0x2000;
	s20 =	simm.s32 $0x2800  }
0x6: {  	s21 =	simm.s32 $0x3000;
	s22 =	simm.s32 $0x3800;
	s23 =	simm.s32 $0x4000  }
0x7: {  	s24 =	simm.s32 $0x1;
	s1 =	sand.u32 $0x1, s1;
	s3 =	sshll.u32 s3, $0x1  }
0x8: {  	s25 =	simm.s32 $0x4800;
	s26 =	simm.s32 $0x6780;
	s3 =	sor.u32 s1, s3  }
0x9: {  	v0 =	vlaneseq.u32;
	s28 =	simm.s32 $0x5F80;
	s1 =	ssub.s32 $0x2, s1;
	s4 =	sshll.u32 s3, $0x4  }
0xa: {  	[smem:$0x7FF] =	sst s9;
	v0 =	vmul.u32 $0x3, v0;
	s5 =	sshrl.u32 s1, $0x1;
	s4 =	sadd.s32 s4, s0  }
0xb: {  	v1 =	vimm.s32 $0x0;
	s10 =	sadd.s32 $0x1A00, s0;
	s1 =	ssub.s32 s1, s5;
	s31 =	sadd.s32 $0x3400, s4  }
0xc: {  	v3 =	vimm.s32 $0x1;
	_ =	strace $0x80000047;
	v2 =	vadd.s32 $0x1, v0;
	v4 =	vadd.s32 $0x2, v0;
	s1 =	smax.u32 s1, $0x1;
	[dreg:$0x8] =	wrdreg s31  }
0xd: {  	s11 =	smul.u32 $0xC350, s3;
	v5 =	vor.u32 $0x1740, v0;
	v6 =	vadd.s32 $0x1741, v0;
	v7 =	vadd.s32 $0x1742, v0;
	s3 =	simm.s32 $0x0;
	[dreg:$0x9] =	wrdreg s1  }
.LBB2_1:
0xe: {  	[tilespmem:$0x6780] =	vst v1  }
0xf: {  	[tilespmem:$0x6790] =	vst v1  }
0x10: {  	[tilespmem:$0x67A0] =	vst v1  }
0x11: {  	[tilespmem:$0x67B0] =	vst v1  }
0x12: {  	[tilespmem:$0x67C0] =	vst v1  }
0x13: {  	[tilespmem:$0x67D0] =	vst v1  }
0x14: {  	[tilespmem:$0x67E0] =	vst v1  }
0x15: {  	[dreg:$0xa] =	wrdreg s3;
	[tilespmem:$0x67F0] =	vst v1;
	s30 =	simm.s32 $0x0  }
.LBB2_2:
0x16: {  	s1 =	smul.u32 $0x7D0, s30;
	_ =	sdelay $0x1  }
0x17: {  	s1 =	sadd.s32 s11, s1  }
0x18: {  	s3 =	rddreg [dreg:$0x3];
	s31 =	sshrl.u32 s1, $0x3  }
0x19: {  	s3 =	sadd.s32 s3, s31  }
0x1a: {  	[tilespmem:s9], [sflag:$0x2] =	stream.linear.gather [hbm4b:s3+s9], $0x7D0, $0x38;
	[tilespmem:$0x6800] =	vst v63  }
0x1b: {  	_ =	swait.ge [sflag:s14], $0x7D0  }
0x1c: {  	[sflag:s14] =	ssyncset.done $0x0  }
0x1d: {  	[sflag:s14] =	ssyncadd.s32 $0xFFFFF830  }
0x1e: {  	s12 =	rddreg [dreg:$0x4]  }
0x1f: {  	s3 =	sadd.s32 s12, s31  }
0x20: {  	[tilespmem:s15], [sflag:$0x2] =	stream.linear.gather [hbm4b:s3+s9], $0x7D0, $0x38;
	[tilespmem:$0x6800] =	vst v63  }
0x21: {  	_ =	swait.ge [sflag:s14], $0x7D0  }
0x22: {  	[sflag:s14] =	ssyncset.done $0x0  }
0x23: {  	s13 =	simm.s32 $0x1000;
	[sflag:s14] =	ssyncadd.s32 $0xFFFFF830  }
0x24: {  	[tilespmem:s13], [sflag:$0x1] =	stream.indirect.gather [hbm4b:s10+s16], $0x1, s9, s16, $0xb8;
	[tilespmem:$0x6800] =	vst v63  }
0x25: {  	s17 =	simm.s32 $0x1800  }
0x26: {  	[tilespmem:s17], [sflag:$0x1] =	stream.indirect.gather [hbm4b:s0+s16], $0x1, s9, s16, $0xb8;
	[tilespmem:$0x6800] =	vst v63  }
0x27: {  	_ = 	snop  }
0x28: {  	[tilespmem:s19], [sflag:$0x1] =	stream.indirect.gather [hbm4b:s2+s16], $0x1, s9, s16, $0xb8;
	[tilespmem:$0x6800] =	vst v63  }
0x29: {  	_ = 	snop  }
0x2a: {  	[tilespmem:s20], [sflag:$0x1] =	stream.indirect.gather [hbm4b:s10+s16], $0x1, s15, s16, $0xb8;
	[tilespmem:$0x6800] =	vst v63  }
0x2b: {  	_ = 	snop  }
0x2c: {  	[tilespmem:s21], [sflag:$0x1] =	stream.indirect.gather [hbm4b:s0+s16], $0x1, s15, s16, $0xb8;
	[tilespmem:$0x6800] =	vst v63  }
0x2d: {  	_ = 	snop  }
0x2e: {  	[tilespmem:s22], [sflag:$0x1] =	stream.indirect.gather [hbm4b:s2+s16], $0x1, s15, s16, $0xb8;
	[tilespmem:$0x6800] =	vst v63  }
0x2f: {  	s18 =	rddreg [dreg:$0x2]  }
0x30: {  	[tilespmem:s23], [sflag:$0x1] =	stream.indirect.gather [hbm4b:s18+s16], $0x1, s15, s16, $0xb8;
	[tilespmem:$0x6800] =	vst v63  }
0x31: {  	_ =	swait.ge [sflag:s24], $0x7D0  }
0x32: {  	[sflag:s24] =	ssyncset.done $0x0  }
0x33: {  	[sflag:s24] =	ssyncadd.s32 $0xFFFFF830  }
0x34: {  	_ =	swait.ge [sflag:s24], $0x7D0  }
0x35: {  	[sflag:s24] =	ssyncset.done $0x0  }
0x36: {  	[sflag:s24] =	ssyncadd.s32 $0xFFFFF830  }
0x37: {  	_ =	swait.ge [sflag:s24], $0x7D0  }
0x38: {  	[sflag:s24] =	ssyncset.done $0x0  }
0x39: {  	[sflag:s24] =	ssyncadd.s32 $0xFFFFF830  }
0x3a: {  	_ =	swait.ge [sflag:s24], $0x7D0  }
0x3b: {  	[sflag:s24] =	ssyncset.done $0x0  }
0x3c: {  	[sflag:s24] =	ssyncadd.s32 $0xFFFFF830  }
0x3d: {  	_ =	swait.ge [sflag:s24], $0x7D0  }
0x3e: {  	[sflag:s24] =	ssyncset.done $0x0  }
0x3f: {  	[sflag:s24] =	ssyncadd.s32 $0xFFFFF830  }
0x40: {  	_ =	swait.ge [sflag:s24], $0x7D0  }
0x41: {  	s6 =	simm.s32 $0xFFFFFFFE;
	s29 =	simm.s32 $0x1810;
	[sflag:s24] =	ssyncset.done $0x0  }
0x42: {  	s4 =	simm.s32 $0x2010;
	s5 =	simm.s32 $0x3810;
	[sflag:s24] =	ssyncadd.s32 $0xFFFFF830  }
0x43: {  	s7 =	simm.s32 $0x5F90;
	s8 =	simm.s32 $0x4010;
	_ =	swait.ge [sflag:s24], $0x7D0  }
0x44: {  	s12 =	simm.s32 $0x1010;
	s3 =	simm.s32 $0x3010;
	[sflag:s24] =	ssyncset.done $0x0  }
0x45: {  	s13 =	simm.s32 $0x2810;
	s17 =	simm.s32 $0x30;
	[sflag:s24] =	ssyncadd.s32 $0xFFFFF830  }
.LBB2_3:
0x46: {  	v8 =	vld [tilespmem:s12+$0xFFFFFFF0]  }
0x47: {  	v9 =	vld [tilespmem:s13+$0xFFFFFFF0]  }
0x48: {  	v10 =	vld [tilespmem:s29+$0xFFFFFFF0]  }
0x49: {  	v11 =	vld [tilespmem:s3+$0xFFFFFFF0]  }
0x4a: {  	v12 =	vld [tilespmem:s4+$0xFFFFFFF0]  }
0x4b: {  	v13 =	vld [tilespmem:s5+$0xFFFFFFF0];
	_ =	sdelay $0x2  }
0x4c: {  	v8 =	vsub.f32 v8, v9;
	v45 =	vsub.f32 v10, v11;
	_ =	sdelay $0x1  }
0x4d: {  	v46 =	vsub.f32 v12, v13;
	v47 =	vmul.f32 v8, v8;
	v48 =	vmul.f32 v45, v45;
	_ =	sdelay $0x1  }
0x4e: {  	v49 =	vmul.f32 v46, v46;
	v11 =	vadd.f32 v48, v47;
	_ =	sdelay $0x1  }
0x4f: {  	v11 =	vadd.f32 v49, v11;
	_ =	sdelay $0x1  }
0x50: {  	v12 =	vshra.s32 v11, $0x1;
	v50 =	vmul.f32 $5.000000000e-01, v11  }
0x51: {  	v12 =	vsub.s32 $0x5F3759DF, v12  }
0x52: {  	v14 =	vmul.f32 v12, v50;
	_ =	sdelay $0x1  }
0x53: {  	v14 =	vmul.f32 v12, v14;
	_ =	sdelay $0x1  }
0x54: {  	v14 =	vsub.f32 $1.500000000e+00, v14;
	_ =	sdelay $0x1  }
0x55: {  	v12 =	vmul.f32 v12, v14;
	_ =	sdelay $0x1  }
0x56: {  	v14 =	vmul.f32 v12, v50;
	_ =	sdelay $0x1  }
0x57: {  	v14 =	vmul.f32 v14, v12;
	_ =	sdelay $0x1  }
0x58: {  	v14 =	vsub.f32 $1.500000000e+00, v14;
	_ =	sdelay $0x1  }
0x59: {  	v12 =	vmul.f32 v14, v12;
	_ =	sdelay $0x1  }
0x5a: {  	v13 =	vmul.f32 v12, v50;
	_ =	sdelay $0x1  }
0x5b: {  	v13 =	vmul.f32 v13, v12;
	_ =	sdelay $0x1  }
0x5c: {  	v13 =	vsub.f32 $1.500000000e+00, v13  }
0x5d: {  	s18 =	sadd.s32 $0xFFFFFFD0, s17  }
0x5e: {  	v51 =	vadd.s32 s18, v0;
	v12 =	vmul.f32 v13, v12  }
0x5f: {  	v52 =	vadd.s32 s18, v2  }
0x60: {  	v53 =	vadd.s32 s18, v4;
	v11 =	vmul.f32 v12, v11;
	_ =	sdelay $0x1  }
0x61: {  	[tilespmem:s7+$0xFFFFFFF0] =	vst v11  }
0x62: {  	[tilespmem:v51+s25+$0x0] =	vst.idx.msk $0xffff, v8  }
0x63: {  	[tilespmem:v52+s25+$0x0] =	vst.idx.msk $0xffff, v45  }
0x64: {  	[tilespmem:v53+s25+$0x0] =	vst.idx.msk $0xffff, v46  }
0x65: {  	v8 =	vld [tilespmem:s8+$0xFFFFFFF0];
	_ =	sdelay $0x7  }
0x66: {  	[tilespmem:v8+s26+$0x0] =	vst.idx.add.s32.msk $0xffff, v3  }
0x67: {  	v8 =	vld [tilespmem:s12+$0x0]  }
0x68: {  	v9 =	vld [tilespmem:s13+$0x0]  }
0x69: {  	v10 =	vld [tilespmem:s29+$0x0]  }
0x6a: {  	v11 =	vld [tilespmem:s3+$0x0]  }
0x6b: {  	v12 =	vld [tilespmem:s4+$0x0]  }
0x6c: {  	v13 =	vld [tilespmem:s5+$0x0];
	_ =	sdelay $0x2  }
0x6d: {  	v8 =	vsub.f32 v8, v9;
	v54 =	vsub.f32 v10, v11;
	_ =	sdelay $0x1  }
0x6e: {  	v55 =	vsub.f32 v12, v13;
	v56 =	vmul.f32 v8, v8;
	v57 =	vmul.f32 v54, v54;
	_ =	sdelay $0x1  }
0x6f: {  	v58 =	vmul.f32 v55, v55;
	v11 =	vadd.f32 v57, v56;
	_ =	sdelay $0x1  }
0x70: {  	v11 =	vadd.f32 v58, v11;
	_ =	sdelay $0x1  }
0x71: {  	v12 =	vshra.s32 v11, $0x1;
	v59 =	vmul.f32 $5.000000000e-01, v11  }
0x72: {  	v12 =	vsub.s32 $0x5F3759DF, v12  }
0x73: {  	v60 =	vmul.f32 v12, v59;
	_ =	sdelay $0x1  }
0x74: {  	v14 =	vmul.f32 v12, v60;
	_ =	sdelay $0x1  }
0x75: {  	v14 =	vsub.f32 $1.500000000e+00, v14;
	_ =	sdelay $0x1  }
0x76: {  	v12 =	vmul.f32 v12, v14;
	_ =	sdelay $0x1  }
0x77: {  	v14 =	vmul.f32 v12, v59;
	_ =	sdelay $0x1  }
0x78: {  	v14 =	vmul.f32 v14, v12;
	_ =	sdelay $0x1  }
0x79: {  	v14 =	vsub.f32 $1.500000000e+00, v14;
	_ =	sdelay $0x1  }
0x7a: {  	v12 =	vmul.f32 v14, v12;
	_ =	sdelay $0x1  }
0x7b: {  	v13 =	vmul.f32 v12, v59;
	_ =	sdelay $0x1  }
0x7c: {  	v13 =	vmul.f32 v13, v12;
	_ =	sdelay $0x1  }
0x7d: {  	v13 =	vsub.f32 $1.500000000e+00, v13;
	_ =	sdelay $0x1  }
0x7e: {  	v61 =	vadd.s32 s17, v0;
	v12 =	vmul.f32 v13, v12  }
0x7f: {  	v62 =	vadd.s32 s17, v2  }
0x80: {  	v63 =	vadd.s32 s17, v4;
	v11 =	vmul.f32 v12, v11;
	_ =	sdelay $0x1  }
0x81: {  	[tilespmem:s7+$0x0] =	vst v11  }
0x82: {  	[tilespmem:v61+s25+$0x0] =	vst.idx.msk $0xffff, v8  }
0x83: {  	[tilespmem:v62+s25+$0x0] =	vst.idx.msk $0xffff, v54  }
0x84: {  	[tilespmem:v63+s25+$0x0] =	vst.idx.msk $0xffff, v55  }
0x85: {  	v8 =	vld [tilespmem:s8+$0x0];
	_ =	sdelay $0x1  }
0x86: {  	s6 =	sadd.s32 $0x2, s6  }
0x87: {  	p0 =	slt.u32 s6, $0x7A  }
.Ltmp0:
0x88: {  	_ = 	snop;
	(pc) =	sbr.rel @p0 .LBB2_3-.Ltmp0, $4  }
0x89: {  	_ = 	snop  }
0x8a: {  	s17 =	sadd.s32 $0x60, s17;
	s12 =	sadd.s32 $0x20, s12;
	s13 =	sadd.s32 $0x20, s13  }
0x8b: {  	s29 =	sadd.s32 $0x20, s29;
	s3 =	sadd.s32 $0x20, s3;
	s4 =	sadd.s32 $0x20, s4  }
0x8c: {  	s5 =	sadd.s32 $0x20, s5;
	s7 =	sadd.s32 $0x20, s7;
	s8 =	sadd.s32 $0x20, s8;
	[tilespmem:v8+s26+$0x0] =	vst.idx.add.s32.msk $0xffff, v3  }
0x8d: {  	v8 =	vld [tilespmem:$0x17C0]  }
0x8e: {  	v9 =	vld [tilespmem:$0x2FC0]  }
0x8f: {  	v10 =	vld [tilespmem:$0x1FC0]  }
0x90: {  	v11 =	vld [tilespmem:$0x37C0]  }
0x91: {  	v12 =	vld [tilespmem:$0x27C0]  }
0x92: {  	v13 =	vld [tilespmem:$0x3FC0];
	_ =	sdelay $0x2  }
0x93: {  	v8 =	vsub.f32 v8, v9;
	v58 =	vsub.f32 v10, v11;
	_ =	sdelay $0x1  }
0x94: {  	v59 =	vsub.f32 v12, v13;
	v60 =	vmul.f32 v8, v8;
	v61 =	vmul.f32 v58, v58;
	_ =	sdelay $0x1  }
0x95: {  	v62 =	vmul.f32 v59, v59;
	v11 =	vadd.f32 v61, v60;
	_ =	sdelay $0x1  }
0x96: {  	v11 =	vadd.f32 v62, v11;
	_ =	sdelay $0x1  }
0x97: {  	v12 =	vshra.s32 v11, $0x1;
	v63 =	vmul.f32 $5.000000000e-01, v11  }
0x98: {  	v12 =	vsub.s32 $0x5F3759DF, v12  }
0x99: {  	v14 =	vmul.f32 v12, v63;
	_ =	sdelay $0x1  }
0x9a: {  	v14 =	vmul.f32 v12, v14;
	_ =	sdelay $0x1  }
0x9b: {  	v14 =	vsub.f32 $1.500000000e+00, v14;
	_ =	sdelay $0x1  }
0x9c: {  	v12 =	vmul.f32 v12, v14;
	_ =	sdelay $0x1  }
0x9d: {  	v14 =	vmul.f32 v12, v63;
	_ =	sdelay $0x1  }
0x9e: {  	v14 =	vmul.f32 v14, v12;
	_ =	sdelay $0x1  }
0x9f: {  	v14 =	vsub.f32 $1.500000000e+00, v14;
	_ =	sdelay $0x1  }
0xa0: {  	v12 =	vmul.f32 v14, v12;
	_ =	sdelay $0x1  }
0xa1: {  	v13 =	vmul.f32 v12, v63;
	_ =	sdelay $0x1  }
0xa2: {  	v13 =	vmul.f32 v13, v12;
	_ =	sdelay $0x1  }
0xa3: {  	v13 =	vsub.f32 $1.500000000e+00, v13;
	_ =	sdelay $0x1  }
0xa4: {  	v12 =	vmul.f32 v13, v12;
	_ =	sdelay $0x1  }
0xa5: {  	v11 =	vmul.f32 v12, v11;
	_ =	sdelay $0x1  }
0xa6: {  	[tilespmem:$0x6740] =	vst v11  }
0xa7: {  	[tilespmem:v5+s25+$0x0] =	vst.idx.msk $0xffff, v8  }
0xa8: {  	[tilespmem:v6+s25+$0x0] =	vst.idx.msk $0xffff, v58  }
0xa9: {  	[tilespmem:v7+s25+$0x0] =	vst.idx.msk $0xffff, v59  }
0xaa: {  	v8 =	vld [tilespmem:$0x47C0];
	_ =	sdelay $0x4  }
0xab: {  	s1 =	smul.u32 $0x3, s1;
	_ =	sdelay $0x1  }
0xac: {  	s3 =	rddreg [dreg:$0x5];
	s1 =	sshrl.u32 s1, $0x3  }
0xad: {  	s1 =	sadd.s32 s3, s1;
	[tilespmem:v8+s26+$0x0] =	vst.idx.add.s32.msk $0xffff, v3  }
0xae: {  	[hbm4b:s1+s9] =	stream.linear.scatter [tilespmem:s25], [sflag:$0x2], $0x1770, $0x38;
	[tilespmem:$0x6800] =	vst v63  }
0xaf: {  	_ =	swait.ge [sflag:s14], $0x1770  }
0xb0: {  	[sflag:s14] =	ssyncset.done $0x0  }
0xb1: {  	s30 =	sadd.s32 $0x1, s30;
	[sflag:s14] =	ssyncadd.s32 $0xFFFFE890  }
0xb2: {  	p0 =	sne.s32 s30, $0x19;
	s29 =	rddreg [dreg:$0x6]  }
.Ltmp1:
0xb3: {  	s1 =	sadd.s32 s29, s31;
	(pc) =	sbr.rel @p0 .LBB2_2-.Ltmp1, $4  }
0xb4: {  	[hbm4b:s1+s9] =	stream.linear.scatter [tilespmem:s28], [sflag:$0x2], $0x7D0, $0x38;
	[tilespmem:$0x6800] =	vst v63  }
0xb5: {  	_ =	swait.ge [sflag:s14], $0x7D0  }
0xb6: {  	[sflag:s14] =	ssyncset.done $0x0  }
0xb7: {  	[sflag:s14] =	ssyncadd.s32 $0xFFFFF830  }
0xb8: {  	s1 =	rddreg [dreg:$0x8]  }
0xb9: {  	[hbm4b:s1+s9] =	stream.linear.scatter [tilespmem:s26], [sflag:$0x2], $0x80, $0x38;
	[tilespmem:$0x6800] =	vst v63  }
0xba: {  	_ =	swait.ge [sflag:s14], $0x80  }
0xbb: {  	s3 =	rddreg [dreg:$0xa]  }
0xbc: {  	s31 =	rddreg [dreg:$0x9];
	s3 =	sadd.s32 $0x1, s3  }
0xbd: {  	p0 =	sne.s32 s3, s31  }
.Ltmp2:
0xbe: {  	_ = 	snop;
	(pc) =	sbr.rel @p0 .LBB2_1-.Ltmp2, $3  }
0xbf: {  	_ =	sdelay $0x1  }
0xc0: {  	[sflag:s14] =	ssyncset.done $0x0  }
0xc1: {  	[sflag:s14] =	ssyncadd.s32 $0xFFFFFF80  }
0xc2: {  	_ =	sfence.sel $0x180000  }
0xc3: {  	[bflag:$0x0] =	sbarrier.arrive $0xFFFF  }
0xc4: {  	_ =	strace $0x90000047  }
0xc5: {  	s0 =	stileid.u32;
	[bflag:$0x2] =	sbarrier.arrive $0xFFFF  }
0xc6: {  	p0 =	sne.s32 s0, $0x0;
	s0 =	rddreg [dreg:$0x7]  }
0xc7: {  	s0 =	sadd.s32 @!p0 $0x100000, s0  }
0xc8: {  	[sflag:s0] =	ssyncadd.tile.s32 @!p0 $0x1;
	_ =	shalt  }
.Lfunc_end2:
_tile_overlayer_lowered:
.L_overlay_start_2:
0xc9: {  	(tag) =	ssettag $0x2  }
0xca: {  	s0 =	rddreg [dreg:$0x0];
	s2 =	stileid.u32  }
0xcb: {  	s1 =	rddreg [dreg:$0x1];
	p0 =	sne.s32 s2, $0x0  }
0xcc: {  	s3 =	rddreg [dreg:$0x2];
	[bflag:$0x3] =	sbarrier.arrive $0xFFFF;
	s2 =	simm.s32 @!p0 $0x1C02  }
0xcd: {  	[timem:s3], [sflag:s2] =	dma.local @!p0 [hbm:s0], s1  }
0xce: {  	s0 =	simm.s32 @!p0 $0x2  }
0xcf: {  	_ =	swait.ge @!p0 [sflag:s0], s1  }
0xd0: {  	s1 =	ssub.s32 @!p0 $0x0, s1;
	[sflag:s0] =	ssyncset.done @!p0 $0x0  }
0xd1: {  	[sflag:s0] =	ssyncadd.s32 @!p0 s1  }
0xd2: {  	[bflag:$0x3] =	sbarrier.arrive $0xFFFF  }
0xd3: {  	_ =	shalt  }

</sc_bundles>
